<compile_context>
chip_gen: v7x
topology: tpu7x:2x2x1
jax: 0.10.2.dev20260603
libtpu: 0.0.44.dev20260713+nightly
codegen_flags: <defaults>
</compile_context>

<pallas_src>
import jax
import jax.numpy as jnp
import numpy as np
from jax import lax
from jax.experimental import pallas as pl
from jax.experimental.pallas import tpu as pltpu
from jax.experimental.pallas import tpu_sc as plsc

RES = 512
FEAT = 128
LANES = 16

_k = np.exp(-np.arange(-1.0, 2.0) ** 2 / 2.0)
_k = _k / _k.sum()
_KA = (float(_k[0]), float(_k[1]), float(_k[2]), 0.0)
_KB = (0.0, float(_k[0]), float(_k[1]), float(_k[2]))


def _body(pt_hbm, base_hbm, out_hbm, pt_v, idx_v, rows_v, out_v, sem):
    pltpu.sync_copy(pt_hbm, pt_v.at[pl.ds(0, 2)])
    iota = lax.iota(jnp.int32, LANES)
    v = pt_v[...]
    p0 = v.at[iota * 0].get(mode="promise_in_bounds")
    p1 = v.at[iota * 0 + 1].get(mode="promise_in_bounds")
    a0 = ((p0 + 1.0) / 2.0) * 511.0
    a1 = ((p1 + 1.0) / 2.0) * 511.0
    i0 = a0.astype(jnp.int32)
    i1 = a1.astype(jnp.int32)
    f0 = a0 - i0.astype(jnp.float32)
    f1 = a1 - i1.astype(jnp.float32)

    p = (iota >> 2) - 1
    q = (iota & 3) - 1
    r = i0 + p
    c = i1 + q
    r = jnp.where(r < 0, -r, jnp.where(r > RES - 1, 2 * RES - 2 - r, r))
    c = jnp.where(c < 0, -c, jnp.where(c > RES - 1, 2 * RES - 2 - c, c))
    idx_v[...] = r * RES + c

    cp = pltpu.async_copy(base_hbm.at[idx_v], rows_v, sem)

    one_m_f0 = 1.0 - f0
    one_m_f1 = 1.0 - f1
    wr = [one_m_f0 * _KA[t] + f0 * _KB[t] for t in range(4)]
    wc = [one_m_f1 * _KA[t] + f1 * _KB[t] for t in range(4)]
    w = [wr[l // 4] * wc[l % 4] for l in range(LANES)]

    cp.wait()

    def chunk(ch, _):
        sl = pl.ds(ch * LANES, LANES)
        acc = w[0] * rows_v[0, sl]
        for l in range(1, LANES):
            acc = acc + w[l] * rows_v[l, sl]
        out_v[sl] = acc
        return _

    lax.fori_loop(0, FEAT // LANES, chunk, None)
    pltpu.sync_copy(out_v, out_hbm)


@jax.jit
def kernel(pt, base_features):
    mesh = plsc.VectorSubcoreMesh(
        core_axis_name="c", subcore_axis_name="s", num_cores=1, num_subcores=1
    )
    run = pl.kernel(
        _body,
        out_type=jax.ShapeDtypeStruct((FEAT,), jnp.float32),
        mesh=mesh,
        scratch_types=[
            pltpu.VMEM((LANES,), jnp.float32),
            pltpu.VMEM((LANES,), jnp.int32),
            pltpu.VMEM((LANES, FEAT), jnp.float32),
            pltpu.VMEM((FEAT,), jnp.float32),
            pltpu.SemaphoreType.DMA,
        ],
    )
    base_flat = base_features.reshape(RES * RES, FEAT)
    return run(pt, base_flat)

# --- scband reference (transcript-rebuilt; emitter-appended) ---
"""Pipeline reference for scband-mip-map-63591285785200 (READ-ONLY COPY).

The authoritative reference and input builder live on the scoring server;
editing this copy changes nothing except your own understanding.
"""

import jax, jax.numpy as jnp
import numpy as np
import itertools

RESOLUTION = 512
FEATURE_SIZE = 128
SCALE_FACTOR = 1.0
KERN_LENGTH = 3
DIMENSIONS = 2
GRID_MIN = jnp.array([-1.0, -1.0])
GRID_MAX = jnp.array([1.0, 1.0])
DIMS = (RESOLUTION, RESOLUTION)


def gaussian(M, std):
    if M == 1:
        return jnp.ones(1)
    n = jnp.arange(0, M) - (M - 1.0) / 2.0
    sig2 = 2 * std * std
    return jnp.exp(-n ** 2 / sig2)


def downsample_static(base_mipmap, scale_factor, kern_length):
    shape = base_mipmap.shape
    ndim = len(shape) - 1
    resolution = shape[0]
    kern = gaussian(kern_length, scale_factor)
    kern = kern / kern.sum()
    kern = kern.astype(base_mipmap.dtype)
    blurred = jnp.asarray(base_mipmap)
    for dim in range(ndim):
        n_axis = [1 for _ in range(len(shape) - 1)]
        n_axis[dim] = kern_length
        padding = [(0, 0) for _ in range(len(shape))]
        padding[dim] = (kern_length, kern_length)
        blurred = jnp.pad(blurred, padding, mode='reflect')
        kern_nd = jnp.resize(kern, tuple(n_axis) + (1,))
        b = kern_nd[..., -1]

        def conv_ch(a_, b=b):
            return jax.lax.conv_general_dilated(a_[jnp.newaxis, jnp.newaxis, ...], b[jnp.newaxis, jnp.newaxis, ...], tuple(1 for _ in range(ndim)), 'SAME')[0, 0]

        blurred = jnp.moveaxis(jax.vmap(conv_ch)(jnp.moveaxis(blurred, -1, 0)), 0, -1)
        blurred = jnp.take(blurred, jnp.arange(kern_length, resolution + kern_length), axis=dim)
    return blurred


def n_dimensional_interpolation(cs, alpha):
    if alpha.shape[0] > 1:
        a = n_dimensional_interpolation(cs[0, ...], alpha[1:])
        b = n_dimensional_interpolation(cs[1, ...], alpha[1:])
    else:
        a = cs[0]
        b = cs[1]
    return (1 - alpha[0]) * a + alpha[0] * b


def setup_inputs(seed: int = 0) -> dict:
    key = jax.random.key(seed)
    k1, k2 = jax.random.split(key)
    pt = jax.random.uniform(k1, (DIMENSIONS,), dtype=jnp.float32)  # lies inside [-1, 1]^2
    base_features = jax.random.normal(k2, (RESOLUTION, RESOLUTION, FEATURE_SIZE), dtype=jnp.float32) * 0.1
    return {"pt": pt, "base_features": base_features}


def reference(pt, base_features):
    alpha = (pt - GRID_MIN) / (GRID_MAX - GRID_MIN)
    # jax.lax.select with scalar python-bool predicate; both branches materialized
    feature_map = jnp.where(SCALE_FACTOR > 0.5,
                            downsample_static(base_features, SCALE_FACTOR, KERN_LENGTH),
                            base_features)
    idx_f = alpha * (jnp.array(DIMS).astype(jnp.float32) - 1)
    idx = idx_f.astype(jnp.int32)
    idx_alpha = jnp.modf(idx_f)[0]
    sample_locs = jnp.array(list(itertools.product(range(2), repeat=DIMENSIONS)))
    sample_locs = sample_locs.reshape((2,) * DIMENSIONS + (-1,))
    xs = jnp.clip(idx + sample_locs, 0, RESOLUTION)
    cs = jax.vmap(lambda x: feature_map[x[0], x[1]])(xs.reshape(-1, DIMENSIONS)).reshape(xs.shape[:-1] + (FEATURE_SIZE,))
    pt_feature = n_dimensional_interpolation(cs, idx_alpha)
    # decoder is identity (create_decoder_fn -> lambda: (lambda x: x))
    return pt_feature

if __name__ == "__main__":
    import jax
    _d = setup_inputs()
    print(jax.jit(kernel)(*tuple(_d.values())))

</pallas_src>

<mosaic_0001>
#map = affine_map<(d0, d1) -> (0)>
#map1 = affine_map<(d0, d1) -> (0, 0)>
module attributes {stable_mosaic.version = 14 : i64} {
  func.func @_body(%arg0: i32, %arg1: i32, %arg2: memref<2xf32, #tpu.memory_space<hbm>>, %arg3: memref<262144x128xf32, #tpu.memory_space<hbm>>, %arg4: memref<128xf32, #tpu.memory_space<hbm>>, %arg5: memref<16xf32, #tpu.memory_space<vmem>>, %arg6: memref<16xi32, #tpu.memory_space<vmem>>, %arg7: memref<16x128xf32, #tpu.memory_space<vmem>>, %arg8: memref<128xf32, #tpu.memory_space<vmem>>, %arg9: memref<!tpu.dma_semaphore, #tpu.memory_space<semaphore_mem>>) attributes {dimension_semantics = [#tpu.dimension_semantics<core_parallel>, #tpu.dimension_semantics<subcore_parallel>], iteration_bounds = array<i64: 1, 1>, scalar_prefetch = 0 : i64, scratch_operands = 5 : i64, tpu.core_type = #tpu.core_type<sc_vector_subcore>, window_params = [{transform_indices = #map}, {transform_indices = #map1}, {transform_indices = #map}]} {
    "tpu.region"() ({
      %run_scoped3A = tpu.sem_alloc : memref<!tpu.dma_semaphore, #tpu.memory_space<semaphore_mem>>
      %dma_start3A_177 = arith.constant 0 : i32
      %dma_start3A_178 = tpu.memref_slice %arg5[%dma_start3A_177] : memref<16xf32, #tpu.memory_space<vmem>> -> memref<2xf32, #tpu.memory_space<vmem>>
      %dma_start3A_179 = arith.constant 0 : i32
      %dma_start3A_180 = tpu.memref_slice %arg5[%dma_start3A_179] : memref<16xf32, #tpu.memory_space<vmem>> -> memref<2xf32, #tpu.memory_space<vmem>>
      tpu.enqueue_dma source(%arg2 : memref<2xf32, #tpu.memory_space<hbm>>) target(%dma_start3A_180 : memref<2xf32, #tpu.memory_space<vmem>>) target_semaphore(%run_scoped3A : memref<!tpu.dma_semaphore, #tpu.memory_space<semaphore_mem>>)
      %dma_wait3A_181 = arith.constant 0 : i32
      %dma_wait3A_182 = tpu.memref_slice %arg5[%dma_wait3A_181] : memref<16xf32, #tpu.memory_space<vmem>> -> memref<2xf32, #tpu.memory_space<vmem>>
      %dma_wait3A_183 = arith.constant 0 : i32
      %dma_wait3A_184 = tpu.memref_slice %arg5[%dma_wait3A_183] : memref<16xf32, #tpu.memory_space<vmem>> -> memref<2xf32, #tpu.memory_space<vmem>>
      tpu.wait_dma2 semaphore(%run_scoped3A : memref<!tpu.dma_semaphore, #tpu.memory_space<semaphore_mem>>) src(%arg2 : memref<2xf32, #tpu.memory_space<hbm>>) dst(%dma_wait3A_184 : memref<2xf32, #tpu.memory_space<vmem>>)
      tpu.yield
    }) : () -> ()
    %iota3A = tpu.iota {dimensions = array<i32: 0>} : vector<16xi32>
    %get3A = arith.constant 0 : index
    %get3A_0 = tpu.vector_load %arg5[%get3A] {strides = array<i32>} : memref<16xf32, #tpu.memory_space<vmem>>, vector<16xf32>,
    %get3A_1 = vector.shape_cast %get3A_0 : vector<16xf32> to vector<16xf32>
    %mul3A = arith.constant 0 : i32
    %mul3A_2 = vector.broadcast %mul3A : i32 to vector<16xi32>
    %mul3A_3 = arith.muli %iota3A, %mul3A_2 : vector<16xi32>
    %lt3A = arith.constant 0 : i32
    %lt3A_4 = vector.broadcast %lt3A : i32 to vector<16xi32>
    %lt3A_5 = arith.cmpi slt, %mul3A_3, %lt3A_4 : vector<16xi32>
    %add3A = arith.constant 16 : i32
    %add3A_6 = vector.broadcast %add3A : i32 to vector<16xi32>
    %add3A_7 = arith.addi %mul3A_3, %add3A_6 : vector<16xi32>
    %select_n3A = arith.select %lt3A_5, %add3A_7, %mul3A_3 : vector<16xi1>, vector<16xi32>
    %broadcast_in_dim3A = vector.shape_cast %select_n3A : vector<16xi32> to vector<16x1xi32>
    %gather3A = vector.shape_cast %broadcast_in_dim3A : vector<16x1xi32> to vector<16xi32>
    %gather3A_8 = tpu.dynamic_gather %get3A_1[%gather3A] in [0] : vector<16xf32>, vector<16xi32> -> vector<16xf32>
    %mul3A_9 = arith.constant 0 : i32
    %mul3A_10 = vector.broadcast %mul3A_9 : i32 to vector<16xi32>
    %mul3A_11 = arith.muli %iota3A, %mul3A_10 : vector<16xi32>
    %add3A_12 = arith.constant 1 : i32
    %add3A_13 = vector.broadcast %add3A_12 : i32 to vector<16xi32>
    %add3A_14 = arith.addi %mul3A_11, %add3A_13 : vector<16xi32>
    %lt3A_15 = arith.constant 0 : i32
    %lt3A_16 = vector.broadcast %lt3A_15 : i32 to vector<16xi32>
    %lt3A_17 = arith.cmpi slt, %add3A_14, %lt3A_16 : vector<16xi32>
    %add3A_18 = arith.constant 16 : i32
    %add3A_19 = vector.broadcast %add3A_18 : i32 to vector<16xi32>
    %add3A_20 = arith.addi %add3A_14, %add3A_19 : vector<16xi32>
    %select_n3A_21 = arith.select %lt3A_17, %add3A_20, %add3A_14 : vector<16xi1>, vector<16xi32>
    %broadcast_in_dim3A_22 = vector.shape_cast %select_n3A_21 : vector<16xi32> to vector<16x1xi32>
    %gather3A_23 = vector.shape_cast %broadcast_in_dim3A_22 : vector<16x1xi32> to vector<16xi32>
    %gather3A_24 = tpu.dynamic_gather %get3A_1[%gather3A_23] in [0] : vector<16xf32>, vector<16xi32> -> vector<16xf32>
    %add3A_25 = arith.constant 1.000000e+00 : f32
    %add3A_26 = vector.broadcast %add3A_25 : f32 to vector<16xf32>
    %add3A_27 = arith.addf %gather3A_8, %add3A_26 : vector<16xf32>
    %div3A = arith.constant 2.000000e+00 : f32
    %div3A_28 = vector.broadcast %div3A : f32 to vector<16xf32>
    %div3A_29 = arith.divf %add3A_27, %div3A_28 : vector<16xf32>
    %mul3A_30 = arith.constant 5.110000e+02 : f32
    %mul3A_31 = vector.broadcast %mul3A_30 : f32 to vector<16xf32>
    %mul3A_32 = arith.mulf %div3A_29, %mul3A_31 : vector<16xf32>
    %add3A_33 = arith.constant 1.000000e+00 : f32
    %add3A_34 = vector.broadcast %add3A_33 : f32 to vector<16xf32>
    %add3A_35 = arith.addf %gather3A_24, %add3A_34 : vector<16xf32>
    %div3A_36 = arith.constant 2.000000e+00 : f32
    %div3A_37 = vector.broadcast %div3A_36 : f32 to vector<16xf32>
    %div3A_38 = arith.divf %add3A_35, %div3A_37 : vector<16xf32>
    %mul3A_39 = arith.constant 5.110000e+02 : f32
    %mul3A_40 = vector.broadcast %mul3A_39 : f32 to vector<16xf32>
    %mul3A_41 = arith.mulf %div3A_38, %mul3A_40 : vector<16xf32>
    %convert_element_type3A = arith.fptosi %mul3A_32 : vector<16xf32> to vector<16xi32>
    %convert_element_type3A_42 = arith.fptosi %mul3A_41 : vector<16xf32> to vector<16xi32>
    %convert_element_type3A_43 = arith.sitofp %convert_element_type3A : vector<16xi32> to vector<16xf32>
    %sub3A = arith.subf %mul3A_32, %convert_element_type3A_43 : vector<16xf32>
    %convert_element_type3A_44 = arith.sitofp %convert_element_type3A_42 : vector<16xi32> to vector<16xf32>
    %sub3A_45 = arith.subf %mul3A_41, %convert_element_type3A_44 : vector<16xf32>
    %shift_right_arithmetic3A = arith.constant 2 : i32
    %shift_right_arithmetic3A_46 = vector.broadcast %shift_right_arithmetic3A : i32 to vector<16xi32>
    %shift_right_arithmetic3A_47 = arith.shrsi %iota3A, %shift_right_arithmetic3A_46 : vector<16xi32>
    %sub3A_48 = arith.constant 1 : i32
    %sub3A_49 = vector.broadcast %sub3A_48 : i32 to vector<16xi32>
    %sub3A_50 = arith.subi %shift_right_arithmetic3A_47, %sub3A_49 : vector<16xi32>
    %and3A = arith.constant 3 : i32
    %and3A_51 = vector.broadcast %and3A : i32 to vector<16xi32>
    %and3A_52 = arith.andi %iota3A, %and3A_51 : vector<16xi32>
    %sub3A_53 = arith.constant 1 : i32
    %sub3A_54 = vector.broadcast %sub3A_53 : i32 to vector<16xi32>
    %sub3A_55 = arith.subi %and3A_52, %sub3A_54 : vector<16xi32>
    %add3A_56 = arith.addi %convert_element_type3A, %sub3A_50 : vector<16xi32>
    %add3A_57 = arith.addi %convert_element_type3A_42, %sub3A_55 : vector<16xi32>
    %lt3A_58 = arith.constant 0 : i32
    %lt3A_59 = vector.broadcast %lt3A_58 : i32 to vector<16xi32>
    %lt3A_60 = arith.cmpi slt, %add3A_56, %lt3A_59 : vector<16xi32>
    %neg3A = arith.constant 0 : i32
    %neg3A_61 = vector.broadcast %neg3A : i32 to vector<16xi32>
    %neg3A_62 = arith.subi %neg3A_61, %add3A_56 : vector<16xi32>
    %gt3A = arith.constant 511 : i32
    %gt3A_63 = vector.broadcast %gt3A : i32 to vector<16xi32>
    %gt3A_64 = arith.cmpi sgt, %add3A_56, %gt3A_63 : vector<16xi32>
    %sub3A_65 = arith.constant 1022 : i32
    %sub3A_66 = vector.broadcast %sub3A_65 : i32 to vector<16xi32>
    %sub3A_67 = arith.subi %sub3A_66, %add3A_56 : vector<16xi32>
    %select_n3A_68 = arith.select %gt3A_64, %sub3A_67, %add3A_56 : vector<16xi1>, vector<16xi32>
    %select_n3A_69 = arith.select %lt3A_60, %neg3A_62, %select_n3A_68 : vector<16xi1>, vector<16xi32>
    %lt3A_70 = arith.constant 0 : i32
    %lt3A_71 = vector.broadcast %lt3A_70 : i32 to vector<16xi32>
    %lt3A_72 = arith.cmpi slt, %add3A_57, %lt3A_71 : vector<16xi32>
    %neg3A_73 = arith.constant 0 : i32
    %neg3A_74 = vector.broadcast %neg3A_73 : i32 to vector<16xi32>
    %neg3A_75 = arith.subi %neg3A_74, %add3A_57 : vector<16xi32>
    %gt3A_76 = arith.constant 511 : i32
    %gt3A_77 = vector.broadcast %gt3A_76 : i32 to vector<16xi32>
    %gt3A_78 = arith.cmpi sgt, %add3A_57, %gt3A_77 : vector<16xi32>
    %sub3A_79 = arith.constant 1022 : i32
    %sub3A_80 = vector.broadcast %sub3A_79 : i32 to vector<16xi32>
    %sub3A_81 = arith.subi %sub3A_80, %add3A_57 : vector<16xi32>
    %select_n3A_82 = arith.select %gt3A_78, %sub3A_81, %add3A_57 : vector<16xi1>, vector<16xi32>
    %select_n3A_83 = arith.select %lt3A_72, %neg3A_75, %select_n3A_82 : vector<16xi1>, vector<16xi32>
    %mul3A_84 = arith.constant 512 : i32
    %mul3A_85 = vector.broadcast %mul3A_84 : i32 to vector<16xi32>
    %mul3A_86 = arith.muli %select_n3A_69, %mul3A_85 : vector<16xi32>
    %add3A_87 = arith.addi %mul3A_86, %select_n3A_83 : vector<16xi32>
    %swap3A = arith.constant 0 : index
    %swap3A_88 = tpu.vector_load %arg6[%swap3A] {strides = array<i32>} : memref<16xi32, #tpu.memory_space<vmem>>, vector<16xi32>,
    %swap3A_89 = vector.shape_cast %swap3A_88 : vector<16xi32> to vector<16xi32>
    %swap3A_90 = vector.shape_cast %add3A_87 : vector<16xi32> to vector<16xi32>
    tpu.vector_store %arg6[%swap3A], %swap3A_90 {strides = array<i32>} : memref<16xi32, #tpu.memory_space<vmem>>, vector<16xi32>,
    %dma_start3A = arith.constant 0 : i32
    %dma_start3A_91 = arith.constant 0 : i32
    %dma_start3A_92 = tpu.memref_slice %arg3[%dma_start3A, %dma_start3A_91] : memref<262144x128xf32, #tpu.memory_space<hbm>> -> memref<262144x128xf32, #tpu.memory_space<hbm>>
    tpu.enqueue_indirect_dma source(%dma_start3A_92 : memref<262144x128xf32, #tpu.memory_space<hbm>>) target(%arg7 : memref<16x128xf32, #tpu.memory_space<vmem>>) offsets(%arg6 : memref<16xi32, #tpu.memory_space<vmem>>) semaphore(%arg9 : memref<!tpu.dma_semaphore, #tpu.memory_space<semaphore_mem>>)
    %sub3A_93 = arith.constant 1.000000e+00 : f32
    %sub3A_94 = vector.broadcast %sub3A_93 : f32 to vector<16xf32>
    %sub3A_95 = arith.subf %sub3A_94, %sub3A : vector<16xf32>
    %sub3A_96 = arith.constant 1.000000e+00 : f32
    %sub3A_97 = vector.broadcast %sub3A_96 : f32 to vector<16xf32>
    %sub3A_98 = arith.subf %sub3A_97, %sub3A_45 : vector<16xf32>
    %mul3A_99 = arith.constant 0.274068624 : f32
    %mul3A_100 = vector.broadcast %mul3A_99 : f32 to vector<16xf32>
    %mul3A_101 = arith.mulf %sub3A_95, %mul3A_100 : vector<16xf32>
    %mul3A_102 = arith.constant 0.000000e+00 : f32
    %mul3A_103 = vector.broadcast %mul3A_102 : f32 to vector<16xf32>
    %mul3A_104 = arith.mulf %sub3A, %mul3A_103 : vector<16xf32>
    %add3A_105 = arith.addf %mul3A_101, %mul3A_104 : vector<16xf32>
    %mul3A_106 = arith.constant 0.451862752 : f32
    %mul3A_107 = vector.broadcast %mul3A_106 : f32 to vector<16xf32>
    %mul3A_108 = arith.mulf %sub3A_95, %mul3A_107 : vector<16xf32>
    %mul3A_109 = arith.constant 0.274068624 : f32
    %mul3A_110 = vector.broadcast %mul3A_109 : f32 to vector<16xf32>
    %mul3A_111 = arith.mulf %sub3A, %mul3A_110 : vector<16xf32>
    %add3A_112 = arith.addf %mul3A_108, %mul3A_111 : vector<16xf32>
    %mul3A_113 = arith.constant 0.274068624 : f32
    %mul3A_114 = vector.broadcast %mul3A_113 : f32 to vector<16xf32>
    %mul3A_115 = arith.mulf %sub3A_95, %mul3A_114 : vector<16xf32>
    %mul3A_116 = arith.constant 0.451862752 : f32
    %mul3A_117 = vector.broadcast %mul3A_116 : f32 to vector<16xf32>
    %mul3A_118 = arith.mulf %sub3A, %mul3A_117 : vector<16xf32>
    %add3A_119 = arith.addf %mul3A_115, %mul3A_118 : vector<16xf32>
    %mul3A_120 = arith.constant 0.000000e+00 : f32
    %mul3A_121 = vector.broadcast %mul3A_120 : f32 to vector<16xf32>
    %mul3A_122 = arith.mulf %sub3A_95, %mul3A_121 : vector<16xf32>
    %mul3A_123 = arith.constant 0.274068624 : f32
    %mul3A_124 = vector.broadcast %mul3A_123 : f32 to vector<16xf32>
    %mul3A_125 = arith.mulf %sub3A, %mul3A_124 : vector<16xf32>
    %add3A_126 = arith.addf %mul3A_122, %mul3A_125 : vector<16xf32>
    %mul3A_127 = arith.constant 0.274068624 : f32
    %mul3A_128 = vector.broadcast %mul3A_127 : f32 to vector<16xf32>
    %mul3A_129 = arith.mulf %sub3A_98, %mul3A_128 : vector<16xf32>
    %mul3A_130 = arith.constant 0.000000e+00 : f32
    %mul3A_131 = vector.broadcast %mul3A_130 : f32 to vector<16xf32>
    %mul3A_132 = arith.mulf %sub3A_45, %mul3A_131 : vector<16xf32>
    %add3A_133 = arith.addf %mul3A_129, %mul3A_132 : vector<16xf32>
    %mul3A_134 = arith.constant 0.451862752 : f32
    %mul3A_135 = vector.broadcast %mul3A_134 : f32 to vector<16xf32>
    %mul3A_136 = arith.mulf %sub3A_98, %mul3A_135 : vector<16xf32>
    %mul3A_137 = arith.constant 0.274068624 : f32
    %mul3A_138 = vector.broadcast %mul3A_137 : f32 to vector<16xf32>
    %mul3A_139 = arith.mulf %sub3A_45, %mul3A_138 : vector<16xf32>
    %add3A_140 = arith.addf %mul3A_136, %mul3A_139 : vector<16xf32>
    %mul3A_141 = arith.constant 0.274068624 : f32
    %mul3A_142 = vector.broadcast %mul3A_141 : f32 to vector<16xf32>
    %mul3A_143 = arith.mulf %sub3A_98, %mul3A_142 : vector<16xf32>
    %mul3A_144 = arith.constant 0.451862752 : f32
    %mul3A_145 = vector.broadcast %mul3A_144 : f32 to vector<16xf32>
    %mul3A_146 = arith.mulf %sub3A_45, %mul3A_145 : vector<16xf32>
    %add3A_147 = arith.addf %mul3A_143, %mul3A_146 : vector<16xf32>
    %mul3A_148 = arith.constant 0.000000e+00 : f32
    %mul3A_149 = vector.broadcast %mul3A_148 : f32 to vector<16xf32>
    %mul3A_150 = arith.mulf %sub3A_98, %mul3A_149 : vector<16xf32>
    %mul3A_151 = arith.constant 0.274068624 : f32
    %mul3A_152 = vector.broadcast %mul3A_151 : f32 to vector<16xf32>
    %mul3A_153 = arith.mulf %sub3A_45, %mul3A_152 : vector<16xf32>
    %add3A_154 = arith.addf %mul3A_150, %mul3A_153 : vector<16xf32>
    %mul3A_155 = arith.mulf %add3A_105, %add3A_133 : vector<16xf32>
    %mul3A_156 = arith.mulf %add3A_105, %add3A_140 : vector<16xf32>
    %mul3A_157 = arith.mulf %add3A_105, %add3A_147 : vector<16xf32>
    %mul3A_158 = arith.mulf %add3A_105, %add3A_154 : vector<16xf32>
    %mul3A_159 = arith.mulf %add3A_112, %add3A_133 : vector<16xf32>
    %mul3A_160 = arith.mulf %add3A_112, %add3A_140 : vector<16xf32>
    %mul3A_161 = arith.mulf %add3A_112, %add3A_147 : vector<16xf32>
    %mul3A_162 = arith.mulf %add3A_112, %add3A_154 : vector<16xf32>
    %mul3A_163 = arith.mulf %add3A_119, %add3A_133 : vector<16xf32>
    %mul3A_164 = arith.mulf %add3A_119, %add3A_140 : vector<16xf32>
    %mul3A_165 = arith.mulf %add3A_119, %add3A_147 : vector<16xf32>
    %mul3A_166 = arith.mulf %add3A_119, %add3A_154 : vector<16xf32>
    %mul3A_167 = arith.mulf %add3A_126, %add3A_133 : vector<16xf32>
    %mul3A_168 = arith.mulf %add3A_126, %add3A_140 : vector<16xf32>
    %mul3A_169 = arith.mulf %add3A_126, %add3A_147 : vector<16xf32>
    %mul3A_170 = arith.mulf %add3A_126, %add3A_154 : vector<16xf32>
    %dma_wait3A = arith.constant 0 : i32
    %dma_wait3A_171 = arith.constant 0 : i32
    %dma_wait3A_172 = tpu.memref_slice %arg3[%dma_wait3A, %dma_wait3A_171] : memref<262144x128xf32, #tpu.memory_space<hbm>> -> memref<262144x128xf32, #tpu.memory_space<hbm>>
    tpu.wait_indirect_dma semaphore(%arg9 : memref<!tpu.dma_semaphore, #tpu.memory_space<semaphore_mem>>) src(%dma_wait3A_172 : memref<262144x128xf32, #tpu.memory_space<hbm>>) dst(%arg7 : memref<16x128xf32, #tpu.memory_space<vmem>>)
    %scan3A = arith.constant 0 : i32
    %scan3A_173 = arith.constant 8 : i32
    %scan3A_174 = arith.addi %scan3A, %scan3A_173 : i32
    %scan3A_175 = arith.constant 1 : i32
    scf.for %scan3A_177 = %scan3A to %scan3A_174 step %scan3A_175  : i32 {
      %mul3A_178 = arith.constant 16 : i32
      %mul3A_179 = arith.muli %scan3A_177, %mul3A_178 : i32
      %get3A_180 = arith.constant 0 : i32
      %get3A_181 = arith.index_cast %get3A_180 : i32 to index
      %get3A_182 = arith.index_cast %mul3A_179 : i32 to index
      %get3A_183 = tpu.vector_load %arg7[%get3A_181, %get3A_182] {strides = array<i32>} : memref<16x128xf32, #tpu.memory_space<vmem>>, vector<1x16xf32>,
      %get3A_184 = vector.shape_cast %get3A_183 : vector<1x16xf32> to vector<16xf32>
      %mul3A_185 = arith.mulf %mul3A_155, %get3A_184 : vector<16xf32>
      %get3A_186 = arith.constant 1 : i32
      %get3A_187 = arith.index_cast %get3A_186 : i32 to index
      %get3A_188 = arith.index_cast %mul3A_179 : i32 to index
      %get3A_189 = tpu.vector_load %arg7[%get3A_187, %get3A_188] {strides = array<i32>} : memref<16x128xf32, #tpu.memory_space<vmem>>, vector<1x16xf32>,
      %get3A_190 = vector.shape_cast %get3A_189 : vector<1x16xf32> to vector<16xf32>
      %mul3A_191 = arith.mulf %mul3A_156, %get3A_190 : vector<16xf32>
      %add3A_192 = arith.addf %mul3A_185, %mul3A_191 : vector<16xf32>
      %get3A_193 = arith.constant 2 : i32
      %get3A_194 = arith.index_cast %get3A_193 : i32 to index
      %get3A_195 = arith.index_cast %mul3A_179 : i32 to index
      %get3A_196 = tpu.vector_load %arg7[%get3A_194, %get3A_195] {strides = array<i32>} : memref<16x128xf32, #tpu.memory_space<vmem>>, vector<1x16xf32>,
      %get3A_197 = vector.shape_cast %get3A_196 : vector<1x16xf32> to vector<16xf32>
      %mul3A_198 = arith.mulf %mul3A_157, %get3A_197 : vector<16xf32>
      %add3A_199 = arith.addf %add3A_192, %mul3A_198 : vector<16xf32>
      %get3A_200 = arith.constant 3 : i32
      %get3A_201 = arith.index_cast %get3A_200 : i32 to index
      %get3A_202 = arith.index_cast %mul3A_179 : i32 to index
      %get3A_203 = tpu.vector_load %arg7[%get3A_201, %get3A_202] {strides = array<i32>} : memref<16x128xf32, #tpu.memory_space<vmem>>, vector<1x16xf32>,
      %get3A_204 = vector.shape_cast %get3A_203 : vector<1x16xf32> to vector<16xf32>
      %mul3A_205 = arith.mulf %mul3A_158, %get3A_204 : vector<16xf32>
      %add3A_206 = arith.addf %add3A_199, %mul3A_205 : vector<16xf32>
      %get3A_207 = arith.constant 4 : i32
      %get3A_208 = arith.index_cast %get3A_207 : i32 to index
      %get3A_209 = arith.index_cast %mul3A_179 : i32 to index
      %get3A_210 = tpu.vector_load %arg7[%get3A_208, %get3A_209] {strides = array<i32>} : memref<16x128xf32, #tpu.memory_space<vmem>>, vector<1x16xf32>,
      %get3A_211 = vector.shape_cast %get3A_210 : vector<1x16xf32> to vector<16xf32>
      %mul3A_212 = arith.mulf %mul3A_159, %get3A_211 : vector<16xf32>
      %add3A_213 = arith.addf %add3A_206, %mul3A_212 : vector<16xf32>
      %get3A_214 = arith.constant 5 : i32
      %get3A_215 = arith.index_cast %get3A_214 : i32 to index
      %get3A_216 = arith.index_cast %mul3A_179 : i32 to index
      %get3A_217 = tpu.vector_load %arg7[%get3A_215, %get3A_216] {strides = array<i32>} : memref<16x128xf32, #tpu.memory_space<vmem>>, vector<1x16xf32>,
      %get3A_218 = vector.shape_cast %get3A_217 : vector<1x16xf32> to vector<16xf32>
      %mul3A_219 = arith.mulf %mul3A_160, %get3A_218 : vector<16xf32>
      %add3A_220 = arith.addf %add3A_213, %mul3A_219 : vector<16xf32>
      %get3A_221 = arith.constant 6 : i32
      %get3A_222 = arith.index_cast %get3A_221 : i32 to index
      %get3A_223 = arith.index_cast %mul3A_179 : i32 to index
      %get3A_224 = tpu.vector_load %arg7[%get3A_222, %get3A_223] {strides = array<i32>} : memref<16x128xf32, #tpu.memory_space<vmem>>, vector<1x16xf32>,
      %get3A_225 = vector.shape_cast %get3A_224 : vector<1x16xf32> to vector<16xf32>
      %mul3A_226 = arith.mulf %mul3A_161, %get3A_225 : vector<16xf32>
      %add3A_227 = arith.addf %add3A_220, %mul3A_226 : vector<16xf32>
      %get3A_228 = arith.constant 7 : i32
      %get3A_229 = arith.index_cast %get3A_228 : i32 to index
      %get3A_230 = arith.index_cast %mul3A_179 : i32 to index
      %get3A_231 = tpu.vector_load %arg7[%get3A_229, %get3A_230] {strides = array<i32>} : memref<16x128xf32, #tpu.memory_space<vmem>>, vector<1x16xf32>,
      %get3A_232 = vector.shape_cast %get3A_231 : vector<1x16xf32> to vector<16xf32>
      %mul3A_233 = arith.mulf %mul3A_162, %get3A_232 : vector<16xf32>
      %add3A_234 = arith.addf %add3A_227, %mul3A_233 : vector<16xf32>
      %get3A_235 = arith.constant 8 : i32
      %get3A_236 = arith.index_cast %get3A_235 : i32 to index
      %get3A_237 = arith.index_cast %mul3A_179 : i32 to index
      %get3A_238 = tpu.vector_load %arg7[%get3A_236, %get3A_237] {strides = array<i32>} : memref<16x128xf32, #tpu.memory_space<vmem>>, vector<1x16xf32>,
      %get3A_239 = vector.shape_cast %get3A_238 : vector<1x16xf32> to vector<16xf32>
      %mul3A_240 = arith.mulf %mul3A_163, %get3A_239 : vector<16xf32>
      %add3A_241 = arith.addf %add3A_234, %mul3A_240 : vector<16xf32>
      %get3A_242 = arith.constant 9 : i32
      %get3A_243 = arith.index_cast %get3A_242 : i32 to index
      %get3A_244 = arith.index_cast %mul3A_179 : i32 to index
      %get3A_245 = tpu.vector_load %arg7[%get3A_243, %get3A_244] {strides = array<i32>} : memref<16x128xf32, #tpu.memory_space<vmem>>, vector<1x16xf32>,
      %get3A_246 = vector.shape_cast %get3A_245 : vector<1x16xf32> to vector<16xf32>
      %mul3A_247 = arith.mulf %mul3A_164, %get3A_246 : vector<16xf32>
      %add3A_248 = arith.addf %add3A_241, %mul3A_247 : vector<16xf32>
      %get3A_249 = arith.constant 10 : i32
      %get3A_250 = arith.index_cast %get3A_249 : i32 to index
      %get3A_251 = arith.index_cast %mul3A_179 : i32 to index
      %get3A_252 = tpu.vector_load %arg7[%get3A_250, %get3A_251] {strides = array<i32>} : memref<16x128xf32, #tpu.memory_space<vmem>>, vector<1x16xf32>,
      %get3A_253 = vector.shape_cast %get3A_252 : vector<1x16xf32> to vector<16xf32>
      %mul3A_254 = arith.mulf %mul3A_165, %get3A_253 : vector<16xf32>
      %add3A_255 = arith.addf %add3A_248, %mul3A_254 : vector<16xf32>
      %get3A_256 = arith.constant 11 : i32
      %get3A_257 = arith.index_cast %get3A_256 : i32 to index
      %get3A_258 = arith.index_cast %mul3A_179 : i32 to index
      %get3A_259 = tpu.vector_load %arg7[%get3A_257, %get3A_258] {strides = array<i32>} : memref<16x128xf32, #tpu.memory_space<vmem>>, vector<1x16xf32>,
      %get3A_260 = vector.shape_cast %get3A_259 : vector<1x16xf32> to vector<16xf32>
      %mul3A_261 = arith.mulf %mul3A_166, %get3A_260 : vector<16xf32>
      %add3A_262 = arith.addf %add3A_255, %mul3A_261 : vector<16xf32>
      %get3A_263 = arith.constant 12 : i32
      %get3A_264 = arith.index_cast %get3A_263 : i32 to index
      %get3A_265 = arith.index_cast %mul3A_179 : i32 to index
      %get3A_266 = tpu.vector_load %arg7[%get3A_264, %get3A_265] {strides = array<i32>} : memref<16x128xf32, #tpu.memory_space<vmem>>, vector<1x16xf32>,
      %get3A_267 = vector.shape_cast %get3A_266 : vector<1x16xf32> to vector<16xf32>
      %mul3A_268 = arith.mulf %mul3A_167, %get3A_267 : vector<16xf32>
      %add3A_269 = arith.addf %add3A_262, %mul3A_268 : vector<16xf32>
      %get3A_270 = arith.constant 13 : i32
      %get3A_271 = arith.index_cast %get3A_270 : i32 to index
      %get3A_272 = arith.index_cast %mul3A_179 : i32 to index
      %get3A_273 = tpu.vector_load %arg7[%get3A_271, %get3A_272] {strides = array<i32>} : memref<16x128xf32, #tpu.memory_space<vmem>>, vector<1x16xf32>,
      %get3A_274 = vector.shape_cast %get3A_273 : vector<1x16xf32> to vector<16xf32>
      %mul3A_275 = arith.mulf %mul3A_168, %get3A_274 : vector<16xf32>
      %add3A_276 = arith.addf %add3A_269, %mul3A_275 : vector<16xf32>
      %get3A_277 = arith.constant 14 : i32
      %get3A_278 = arith.index_cast %get3A_277 : i32 to index
      %get3A_279 = arith.index_cast %mul3A_179 : i32 to index
      %get3A_280 = tpu.vector_load %arg7[%get3A_278, %get3A_279] {strides = array<i32>} : memref<16x128xf32, #tpu.memory_space<vmem>>, vector<1x16xf32>,
      %get3A_281 = vector.shape_cast %get3A_280 : vector<1x16xf32> to vector<16xf32>
      %mul3A_282 = arith.mulf %mul3A_169, %get3A_281 : vector<16xf32>
      %add3A_283 = arith.addf %add3A_276, %mul3A_282 : vector<16xf32>
      %get3A_284 = arith.constant 15 : i32
      %get3A_285 = arith.index_cast %get3A_284 : i32 to index
      %get3A_286 = arith.index_cast %mul3A_179 : i32 to index
      %get3A_287 = tpu.vector_load %arg7[%get3A_285, %get3A_286] {strides = array<i32>} : memref<16x128xf32, #tpu.memory_space<vmem>>, vector<1x16xf32>,
      %get3A_288 = vector.shape_cast %get3A_287 : vector<1x16xf32> to vector<16xf32>
      %mul3A_289 = arith.mulf %mul3A_170, %get3A_288 : vector<16xf32>
      %add3A_290 = arith.addf %add3A_283, %mul3A_289 : vector<16xf32>
      %swap3A_291 = arith.index_cast %mul3A_179 : i32 to index
      %swap3A_292 = tpu.vector_load %arg8[%swap3A_291] {strides = array<i32>} : memref<128xf32, #tpu.memory_space<vmem>>, vector<16xf32>,
      %swap3A_293 = vector.shape_cast %swap3A_292 : vector<16xf32> to vector<16xf32>
      %swap3A_294 = vector.shape_cast %add3A_290 : vector<16xf32> to vector<16xf32>
      tpu.vector_store %arg8[%swap3A_291], %swap3A_294 {strides = array<i32>} : memref<128xf32, #tpu.memory_space<vmem>>, vector<16xf32>,
    }
    %scan3A_176 = arith.constant 8 : i32
    "tpu.region"() ({
      %run_scoped3A = tpu.sem_alloc : memref<!tpu.dma_semaphore, #tpu.memory_space<semaphore_mem>>
      tpu.enqueue_dma source(%arg8 : memref<128xf32, #tpu.memory_space<vmem>>) target(%arg4 : memref<128xf32, #tpu.memory_space<hbm>>) target_semaphore(%run_scoped3A : memref<!tpu.dma_semaphore, #tpu.memory_space<semaphore_mem>>)
      tpu.wait_dma2 semaphore(%run_scoped3A : memref<!tpu.dma_semaphore, #tpu.memory_space<semaphore_mem>>) src(%arg8 : memref<128xf32, #tpu.memory_space<vmem>>) dst(%arg4 : memref<128xf32, #tpu.memory_space<hbm>>)
      tpu.yield
    }) : () -> ()
    return
  }
}

</mosaic_0001>

<sc_bundles>
// kernel: kernel.3.cloned.1.call-start
scs
__scs_entry_jumppad:
0x0: {  	(pc) =	sbr.rel $0x88, $3  }
0x1: {  	(tag) =	ssettag $0x0;
	lr =	simm.s32 $0x1  }
0x2: {  	[smem:$0x3F9F] =	sst lr;
	_ =	strace $0xD0000000  }
0x3: {  	_ = 	snop  }
0x4: {  	_ = 	snop  }
0x5: {  	_ = 	snop  }
0x6: {  	_ = 	snop  }
0x7: {  	_ = 	snop  }
__scs_overlays_trampoline_lowered:
0x8: {  	[smem:$0x3FAE] =	sst s0  }
0x9: {  	[smem:$0x3FAF] =	sst s1  }
0xa: {  	[smem:$0x3FB0] =	sst s2  }
0xb: {  	[smem:$0x3FB1] =	sst s3  }
0xc: {  	[smem:$0x3FB2] =	sst s4  }
0xd: {  	[smem:$0x3FB3] =	sst s5  }
0xe: {  	[smem:$0x3FB4] =	sst s6  }
0xf: {  	[smem:$0x3FB5] =	sst s7  }
0x10: {  	[smem:$0x3FB6] =	sst s8  }
0x11: {  	[smem:$0x3FB7] =	sst s9;
	s0 =	simm.s32 @!p0 $0x0  }
0x12: {  	s1 =	sld [smem:$0x3F9D];
	s0 =	simm.s32 @p0 $0x1  }
0x13: {  	[smem:$0x3FB8] =	sst s0;
	s0 =	simm.s32 @!p1 $0x0  }
0x14: {  	s2 =	sld [smem:$0x3F9C];
	s0 =	simm.s32 @p1 $0x1  }
0x15: {  	[smem:$0x3FB9] =	sst s0;
	s0 =	simm.s32 @!p2 $0x0  }
0x16: {  	s3 =	sld [smem:$0x3FDB];
	s0 =	simm.s32 @p2 $0x1  }
0x17: {  	s4 =	simm.s32 $0x1BF5;
	[smem:$0x3FBB] =	sst s0  }
0x18: {  	s0 =	sld [smem:$0x3F9E];
	_ =	swait.ge [sflag:s4], $0x0  }
0x19: {  	s7 =	sld [smem:$0x3F9F]  }
0x1a: {  	s8 =	sadd.s32 $0xFFFFE003, lr  }
0x1b: {  	s9 =	sadd.s32 $0xFFFFFEF7, lr;
	s5 =	simm.s32 $0xFFFFFFFF;
	p2 =	slt.u32 s8, $0xFFFFF086  }
0x1c: {  	p1 =	slt.u32 s9, $0xF7A;
	s5 =	simm.s32 @!p2 $0x0  }
0x1d: {  	s5 =	simm.s32 @p1 $0x1;
	p0 =	seq.s32 s7, s2  }
0x1e: {  	s7 =	smul.u32 @!p0 $0xF7A, s2;
	p2 =	seq.s32 @!p0 s5, $0x0  }
0x1f: {  	s9 =	smul.u32 $0xF7A, s1;
	s8 =	simm.s32 @!p0 $0x1BF5;
	p2 =	por !p2, p0  }
0x20: {  	[sflag:s8] =	ssyncset.s32 @!p0 $0xFFFFF086;
	s6 =	sadd.s32 @!p0 s3, s7;
	s7 =	simm.s32 @!p0 $0x108  }
0x21: {  	s3 =	sadd.s32 s3, s9;
	s6 =	sadd.s32 @!p0 $0x88, s6;
	s7 =	simm.s32 @p2 $0x1082  }
0x22: {  	[simem:s7], [sflag:s8] =	dma.local @!p0 [hbm:s6], $0xF7A  }
0x23: {  	s9 =	sor.u32 $0xD0000000, s2;
	s6 =	simm.s32 $0x108;
	_ =	swait.ge @!p0 [sflag:s8], $0x0  }
0x24: {  	s3 =	sadd.s32 $0x88, s3;
	s6 =	simm.s32 @!p1 $0x1082;
	[sflag:s4] =	ssyncset.s32 $0xFFFFF086  }
0x25: {  	[simem:s6], [sflag:s4] =	dma.local [hbm:s3], $0xF7A  }
0x26: {  	[smem:$0x3F9F] =	sst s1;
	(tag) =	ssettag s2;
	_ =	strace s9  }
0x27: {  	s1 =	sld [smem:$0x3FAF]  }
0x28: {  	s2 =	sld [smem:$0x3FB0]  }
0x29: {  	s4 =	sld [smem:$0x3FB2]  }
0x2a: {  	p0 =	seq.s32 s5, $0x0;
	s5 =	sld [smem:$0x3FB3]  }
0x2b: {  	s6 =	sld [smem:$0x3FB4]  }
0x2c: {  	s7 =	sld [smem:$0x3FB5]  }
0x2d: {  	s3 =	simm.s32 $0x108;
	s8 =	sld [smem:$0x3FB6]  }
0x2e: {  	s3 =	simm.s32 @!p0 $0x1082;
	s9 =	sld [smem:$0x3FB7]  }
0x2f: {  	lr =	sadd.s32 s0, s3;
	s0 =	sld [smem:$0x3FAE]  }
0x30: {  	s3 =	sld [smem:$0x3FB1]  }
0x31: {  	[smem:$0x3FBA] =	sst s10  }
0x32: {  	s10 =	sld [smem:$0x3FB8];
	_ =	sdelay $0x3  }
0x33: {  	p0 =	seq.s32 s10, $0x1;
	s10 =	sld [smem:$0x3FBA];
	_ =	sdelay $0x3  }
0x34: {  	[smem:$0x3FBA] =	sst s10  }
0x35: {  	s10 =	sld [smem:$0x3FB9];
	_ =	sdelay $0x3  }
0x36: {  	p1 =	seq.s32 s10, $0x1;
	s10 =	sld [smem:$0x3FBA];
	_ =	sdelay $0x3  }
0x37: {  	[smem:$0x3FBA] =	sst s10  }
0x38: {  	s10 =	sld [smem:$0x3FBB]  }
0x39: {  	_ = 	snop;
	(pc) =	sbr.ind lr, $3  }
0x3a: {  	_ = 	snop  }
0x3b: {  	_ = 	snop  }
0x3c: {  	p2 =	seq.s32 s10, $0x1;
	s10 =	sld [smem:$0x3FBA]  }
0x3d: {  	_ =	shalt  }
0x3e: {  	_ =	shalt  }
0x3f: {  	_ =	shalt  }
0x40: {  	_ =	shalt  }
0x41: {  	_ =	shalt  }
0x42: {  	_ =	shalt  }
0x43: {  	_ =	shalt  }
0x44: {  	_ =	shalt  }
0x45: {  	_ =	shalt  }
0x46: {  	_ =	shalt  }
0x47: {  	_ =	shalt  }
0x48: {  	_ =	shalt  }
0x49: {  	_ =	shalt  }
0x4a: {  	_ =	shalt  }
0x4b: {  	_ =	shalt  }
0x4c: {  	_ =	shalt  }
0x4d: {  	_ =	shalt  }
0x4e: {  	_ =	shalt  }
0x4f: {  	_ =	shalt  }
0x50: {  	_ =	shalt  }
0x51: {  	_ =	shalt  }
0x52: {  	_ =	shalt  }
0x53: {  	_ =	shalt  }
0x54: {  	_ =	shalt  }
0x55: {  	_ =	shalt  }
0x56: {  	_ =	shalt  }
0x57: {  	_ =	shalt  }
0x58: {  	_ =	shalt  }
0x59: {  	_ =	shalt  }
0x5a: {  	_ =	shalt  }
0x5b: {  	_ =	shalt  }
0x5c: {  	_ =	shalt  }
0x5d: {  	_ =	shalt  }
0x5e: {  	_ =	shalt  }
0x5f: {  	_ =	shalt  }
0x60: {  	_ =	shalt  }
0x61: {  	_ =	shalt  }
0x62: {  	_ =	shalt  }
0x63: {  	_ =	shalt  }
0x64: {  	_ =	shalt  }
0x65: {  	_ =	shalt  }
0x66: {  	_ =	shalt  }
0x67: {  	_ =	shalt  }
0x68: {  	_ =	shalt  }
0x69: {  	_ =	shalt  }
0x6a: {  	_ =	shalt  }
0x6b: {  	_ =	shalt  }
0x6c: {  	_ =	shalt  }
0x6d: {  	_ =	shalt  }
0x6e: {  	_ =	shalt  }
0x6f: {  	_ =	shalt  }
0x70: {  	_ =	shalt  }
0x71: {  	_ =	shalt  }
0x72: {  	_ =	shalt  }
0x73: {  	_ =	shalt  }
0x74: {  	_ =	shalt  }
0x75: {  	_ =	shalt  }
0x76: {  	_ =	shalt  }
0x77: {  	_ =	shalt  }
0x78: {  	_ =	shalt  }
0x79: {  	_ =	shalt  }
0x7a: {  	_ =	shalt  }
0x7b: {  	_ =	shalt  }
0x7c: {  	_ =	shalt  }
0x7d: {  	_ =	shalt  }
0x7e: {  	_ =	shalt  }
0x7f: {  	_ =	shalt  }
0x80: {  	_ =	shalt  }
0x81: {  	_ =	shalt  }
0x82: {  	_ =	shalt  }
0x83: {  	_ =	shalt  }
0x84: {  	_ =	shalt  }
0x85: {  	_ =	shalt  }
0x86: {  	_ =	shalt  }
0x87: {  	_ =	shalt  }
.Lfunc_end0:
.L_simem_size_0:
called_computation_lowered:
.L_overlay_start_0:
0x88: {  	s0 =	sld [smem:$0x3FD9]  }
0x89: {  	s1 =	sld [smem:$0x3FFE];
	_ =	sdelay $0x3  }
0x8a: {  	s0 =	sadd.s32 s1, s0  }
0x8b: {  	[smem:$0x3FC6] =	sst s0  }
0x8c: {  	_ = 	snop  }
0x8d: {  	s0 =	sld [smem:$0x3FC9]  }
0x8e: {  	s17 =	sld [smem:$0x3FC8]  }
0x8f: {  	s2 =	sld [smem:$0x3FD0];
	(tm) =	ssettm $0x1  }
0x90: {  	s3 =	sld [smem:$0x3FFB];
	_ =	sdelay $0x3  }
0x91: {  	_ =	strace s3  }
0x92: {  	s3 =	sld [smem:$0x3FFC];
	_ =	sdelay $0x3  }
0x93: {  	_ =	strace s3  }
0x94: {  	s3 =	sld [smem:$0x3FFD];
	_ =	sdelay $0x3  }
0x95: {  	_ =	strace s3  }
0x96: {  	_ =	strace $0x8FFFFFFF  }
0x97: {  	s18 =	sld [smem:$0x3FDB];
	_ =	sdelay $0x1  }
0x98: {  	s4 =	simm.s32 $_scs_section_size  }
0x99: {  	s5 =	simm.s32 $_size__tile_overlayer_lowered;
	s6 =	simm.s32 $_tile_overlayer_lowered  }
0x9a: {  	s21 =	simm.s32 $0x1BFF;
	s20 =	sshll.u32 s6, $0x1;
	s3 =	sadd.s32 s4, s18  }
0x9b: {  	s7 =	simm.s32 $0x0;
	s19 =	sshll.u32 s5, $0x1;
	s5 =	sadd.s32 s20, s3  }
0x9c: {  	[timem:s7], [sflag:s21] =	dma.local [hbm:s5], s19  }
0x9d: {  	_ =	swait.ge [sflag:s21], s19  }
0x9e: {  	s4 =	ssub.s32 $0x0, s19;
	[sflag:s21] =	ssyncset.done $0x0  }
0x9f: {  	[sflag:s21] =	ssyncadd.s32 s4;
	_ =	sdelay $0x1  }
0xa0: {  	s22 =	simm.s32 $0x1B8B  }
0xa1: {  	_ =	swait.ge [sflag:s22], $0x1  }
0xa2: {  	[sflag:s22] =	ssyncset.done $0x0  }
0xa3: {  	s23 =	simm.s32 $0x1B8E;
	[sflag:s22] =	ssyncadd.s32 $0xFFFFFFFF  }
0xa4: {  	s24 =	simm.s32 $execute0_lowered;
	[smem:$0x3FD2] =	sst s23  }
0xa5: {  	s4 =	sshll.u32 s24, $0x1;
	_ =	strace $0x80000046;
	[dreg:$0x1] =	wrdreg $0xFFFFFFFF  }
0xa6: {  	s25 =	simm.s32 $_size_execute0_lowered;
	s3 =	sadd.s32 s3, s4;
	[dreg:$0x0] =	wrdreg $0x0  }
0xa7: {  	s4 =	sshll.u32 s25, $0x1;
	[dreg:$0x2] =	wrdreg s3  }
0xa8: {  	[dreg:$0x3] =	wrdreg s4  }
0xa9: {  	[dreg:$0x4] =	wrdreg $0xC0  }
0xaa: {  	_ =	task [dreg:s7], $0x5FFFF  }
0xab: {  	[dreg:$0x1] =	wrdreg $0xFFFFFFFF  }
0xac: {  	[dreg:$0x0] =	wrdreg $0x60  }
0xad: {  	[dreg:$0x2] =	wrdreg s0  }
0xae: {  	[dreg:$0x3] =	wrdreg s17  }
0xaf: {  	[dreg:$0x4] =	wrdreg s2  }
0xb0: {  	[dreg:$0x5] =	wrdreg $0x9  }
0xb1: {  	_ =	task.clear_ibuf [dreg:s7], $0x6FFFF;
	_ =	strace $0x90000046  }
0xb2: {  	s26 =	simm.s32 $0x9;
	_ =	strace $0x80000048  }
0xb3: {  	_ =	swait.ge [sflag:s26], $0x1  }
0xb4: {  	[sflag:s26] =	ssyncadd.s32 $0xFFFFFFFF  }
0xb5: {  	_ =	strace $0x90000048  }
0xb6: {  	_ =	sfence  }
0xb7: {  	s28 =	sld [smem:$0x0];
	_ =	sdelay $0x1  }
0xb8: {  	s29 =	srdreg.scid  }
0xb9: {  	s30 =	sshll.u32 s29, $0xD;
	s31 =	sshrl.u32 s29, $0x2  }
0xba: {  	s1 =	sand.u32 $0x1, s29;
	s2 =	sand.u32 $0x4000, s30;
	s0 =	sadd.s32 s31, s28  }
0xbb: {  	s1 =	sor.u32 s2, s1;
	s0 =	sshll.u32 s0, $0x11  }
0xbc: {  	s0 =	sor.u32 s0, s1  }
0xbd: {  	s0 =	sadd.s32 $0x8F2B, s0  }
0xbe: {  	[sflag:s0] =	ssyncadd.remote.s32 $0x1  }
0xbf: {  	_ =	sfence.sel $0xFFFF  }
0xc0: {  	[dreg:$0x0] =	wrdreg $0xFFFFFFFF;
	(pc) =	sbr.abs _section_cstart, $3  }
0xc1: {  	[dreg:$0x1] =	wrdreg $0xFFFFFFFF  }
0xc2: {  	_ =	task.clear_ibuf [dreg:s7], $0x2FFFF;
	_ =	strace $0x9FFFFFFF  }
0xc3: {  	(tm) =	ssettm $0x7FFFFFFF  }
tec
execute0_lowered:
.L_overlay_start_1:
0x0: {  	(tag) =	ssettag $0x1  }
0x1: {  	s4 =	stileid.u32  }
0x2: {  	p0 =	sne.s32 s4, $0x0  }
.Ltmp0:
0x3: {  	_ = 	snop;
	(pc) =	sbr.rel @p0 .LBB2_4-.Ltmp0, $4  }
0x4: {  	s3 =	rddreg [dreg:$0x0]  }
0x5: {  	s2 =	rddreg [dreg:$0x1]  }
0x6: {  	s1 =	rddreg [dreg:$0x2]  }
0x7: {  	s0 =	rddreg [dreg:$0x3];
	_ =	strace $0x80000047  }
0x8: {  	v0 =	vimm.f32 $2.000000000e+00  }
0x9: {  	(erf) = vrcp.f32 v0;
	_ =	sdelay $0x7  }
0xa: {  	s4 =	simm.s32 $0x0;
	s28 =	simm.s32 $0x2  }
0xb: {  	[tilespmem:s4], [sflag:$0x2] =	stream.linear.gather [hbm4b:s3+s4], $0x2, $0x38;
	v0 =	vpop (erf);
	[tilespmem:$0x980] =	vst v63  }
0xc: {  	_ =	swait.ge [sflag:s28], $0x2  }
0xd: {  	[sflag:s28] =	ssyncset.done $0x0  }
0xe: {  	[sflag:s28] =	ssyncadd.s32 $0xFFFFFFFE  }
0xf: {  	v1 =	vld [tilespmem:$0x0];
	_ =	sdelay $0x3  }
0x10: {  	v2 =	vimm.s32 $0x0  }
0x11: {  	v2 =	vperm.xlane v1, v2  }
0x12: {  	v3 =	vimm.s32 $0x1  }
0x13: {  	v1 =	vperm.xlane v1, v3;
	v2 =	vadd.f32 $1.000000000e+00, v2;
	_ =	sdelay $0x1  }
0x14: {  	v1 =	vadd.f32 $1.000000000e+00, v1;
	v2 =	vmul.f32 v2, v0  }
0x15: {  	v3 =	vlaneseq.u32  }
0x16: {  	v4 =	vshrl.u32 v3, $0x2;
	v0 =	vmul.f32 v1, v0;
	v2 =	vmul.f32 $5.110000000e+02, v2  }
0x17: {  	v3 =	vand.u32 $0x3, v3;
	v6 =	vadd.s32 $0xFFFFFFFF, v4  }
0x18: {  	v4 =	vmul.u32 $0xFFFFFFFF, v4;
	v0 =	vmul.f32 $5.110000000e+02, v0;
	v1 =	vtrunc.f32 v2  }
0x19: {  	v7 =	vadd.s32 $0xFFFFFFFF, v3;
	v1 =	vcvt.f32.s32 v1  }
0x1a: {  	v3 =	vmul.u32 $0xFFFFFFFF, v3;
	v8 =	vadd.s32 $0x1, v4;
	v5 =	vtrunc.f32 v0  }
0x1b: {  	v4 =	vadd.s32 $0x3FF, v4;
	v5 =	vcvt.f32.s32 v5;
	v6 =	vadd.s32 v6, v1  }
0x1c: {  	v4 =	vsub.s32 v4, v1;
	v8 =	vsub.s32 v8, v1;
	vm0 =	vgt.s32 v6, $0x1FF  }
0x1d: {  	v1 =	vcvt.s32.f32 v1;
	vm1 =	vlt.s32 v6, $0x0;
	v4 =	vsel vm0, v4, v6  }
0x1e: {  	v6 =	vadd.s32 v7, v5;
	v7 =	vadd.s32 $0x3FF, v3;
	v3 =	vadd.s32 $0x1, v3  }
0x1f: {  	v4 =	vsel vm1, v8, v4;
	vm14 =	vgt.s32 v6, $0x1FF;
	v7 =	vsub.s32 v7, v5  }
0x20: {  	vm15 =	vlt.s32 v6, $0x0;
	v3 =	vsub.s32 v3, v5;
	v6 =	vsel vm14, v7, v6  }
0x21: {  	v4 =	vshll.u32 v4, $0x9;
	v3 =	vsel vm15, v3, v6  }
0x22: {  	s29 =	simm.s32 $0x10;
	v1 =	vsub.f32 v2, v1;
	v5 =	vcvt.s32.f32 v5;
	v3 =	vadd.s32 v3, v4  }
0x23: {  	s30 =	simm.s32 $0x80;
	s5 =	simm.s32 $0x100;
	s31 =	simm.s32 $0x1;
	[tilespmem:$0x80] =	vst v3  }
0x24: {  	v8 =	vsub.f32 $1.000000000e+00, v1;
	v0 =	vsub.f32 v0, v5;
	[tilespmem:s5], [sflag:$0x1] =	stream.indirect.gather [hbm4b:s2+s29], $0x80, s30, s29, $0xb8;
	[tilespmem:$0x980] =	vst v63  }
0x25: {  	_ =	swait.ge [sflag:s31], $0x800  }
0x26: {  	v4 =	vmul.f32 $0.0e+00, v1;
	v2 =	vsub.f32 $1.000000000e+00, v0;
	v3 =	vmul.f32 $2.740686240e-01, v8;
	[sflag:s31] =	ssyncset.done $0x0  }
0x27: {  	s3 =	simm.s32 $0x0;
	v6 =	vmul.f32 $0.0e+00, v0;
	v11 =	vmul.f32 $2.740686240e-01, v0;
	[sflag:s31] =	ssyncadd.s32 $0xFFFFF800  }
0x28: {  	v5 =	vmul.f32 $2.740686240e-01, v2;
	v7 =	vmul.f32 $4.518627520e-01, v2;
	v12 =	vld [tilespmem:s3+$0x100]  }
0x29: {  	v0 =	vmul.f32 $4.518627520e-01, v0;
	v4 =	vadd.f32 v3, v4;
	v13 =	vld [tilespmem:s3+$0x180]  }
0x2a: {  	v14 =	vadd.f32 v5, v6;
	v15 =	vadd.f32 v7, v11  }
0x2b: {  	v17 =	vmul.f32 $2.740686240e-01, v1;
	v16 =	vadd.f32 v5, v0;
	v0 =	vmul.f32 $0.0e+00, v2;
	v2 =	vld [tilespmem:s3+$0x200]  }
0x2c: {  	v10 =	vmul.f32 v14, v4;
	v9 =	vmul.f32 v15, v4  }
0x2d: {  	v6 =	vmul.f32 $4.518627520e-01, v8;
	v18 =	vld [tilespmem:s3+$0x280];
	v5 =	vmul.f32 v16, v4  }
0x2e: {  	v19 =	vadd.f32 v0, v11;
	v0 =	vmul.f32 v12, v10;
	v11 =	vmul.f32 v13, v9  }
0x2f: {  	v6 =	vadd.f32 v6, v17;
	v12 =	vld [tilespmem:s3+$0x300]  }
0x30: {  	v7 =	vmul.f32 v19, v4;
	v4 =	vmul.f32 v2, v5;
	v0 =	vadd.f32 v11, v0  }
0x31: {  	v11 =	vld [tilespmem:s3+$0x380]  }
0x32: {  	v2 =	vmul.f32 v14, v6;
	v13 =	vmul.f32 v18, v7;
	v4 =	vadd.f32 v4, v0  }
0x33: {  	v18 =	vld [tilespmem:s3+$0x400]  }
0x34: {  	v0 =	vmul.f32 v15, v6;
	v12 =	vmul.f32 v12, v2;
	v4 =	vadd.f32 v13, v4  }
0x35: {  	v20 =	vld [tilespmem:s3+$0x480];
	v13 =	vmul.f32 $4.518627520e-01, v1  }
0x36: {  	s2 =	simm.s32 $0x10;
	v21 =	vld [tilespmem:s3+$0x500];
	v1 =	vmul.f32 v16, v6;
	v11 =	vmul.f32 v11, v0;
	v4 =	vadd.f32 v12, v4  }
0x37: {  	v22 =	vld [tilespmem:s2+$0x100];
	v13 =	vadd.f32 v3, v13  }
0x38: {  	v12 =	vld [tilespmem:s3+$0x580];
	v3 =	vmul.f32 v19, v6;
	v6 =	vadd.f32 v11, v4;
	v11 =	vmul.f32 v18, v1  }
0x39: {  	v18 =	vld [tilespmem:s2+$0x180]  }
0x3a: {  	v23 =	vld [tilespmem:s3+$0x600];
	v4 =	vmul.f32 v14, v13;
	v20 =	vmul.f32 v20, v3;
	v11 =	vadd.f32 v11, v6  }
0x3b: {  	v25 =	vmul.f32 $0.0e+00, v8;
	v24 =	vld [tilespmem:s2+$0x200]  }
0x3c: {  	v6 =	vmul.f32 v15, v13;
	v11 =	vadd.f32 v20, v11;
	v20 =	vmul.f32 v21, v4;
	v21 =	vld [tilespmem:s3+$0x680]  }
0x3d: {  	v26 =	vld [tilespmem:s2+$0x280];
	v22 =	vmul.f32 v22, v10;
	v8 =	vmul.f32 v16, v13  }
0x3e: {  	v27 =	vld [tilespmem:s3+$0x700];
	v12 =	vmul.f32 v12, v6;
	v18 =	vmul.f32 v18, v9;
	v20 =	vadd.f32 v20, v11  }
0x3f: {  	v25 =	vadd.f32 v25, v17;
	v17 =	vld [tilespmem:s2+$0x300];
	v11 =	vmul.f32 v19, v13;
	v13 =	vmul.f32 v23, v8  }
0x40: {  	v23 =	vld [tilespmem:s3+$0x780];
	v18 =	vadd.f32 v18, v22;
	v22 =	vmul.f32 v24, v5;
	v20 =	vadd.f32 v12, v20  }
0x41: {  	v24 =	vld [tilespmem:s2+$0x380];
	v12 =	vmul.f32 v14, v25;
	v14 =	vmul.f32 v21, v11  }
0x42: {  	v18 =	vadd.f32 v22, v18;
	v21 =	vmul.f32 v26, v7;
	v22 =	vld [tilespmem:s3+$0x800];
	v20 =	vadd.f32 v13, v20  }
0x43: {  	v26 =	vld [tilespmem:s2+$0x400];
	v13 =	vmul.f32 v15, v25;
	v15 =	vmul.f32 v27, v12  }
0x44: {  	v27 =	vmul.f32 v17, v2;
	v21 =	vadd.f32 v21, v18;
	v18 =	vld [tilespmem:s3+$0x880];
	v20 =	vadd.f32 v14, v20  }
0x45: {  	v17 =	vld [tilespmem:s2+$0x480];
	v14 =	vmul.f32 v16, v25;
	v28 =	vmul.f32 v23, v13  }
0x46: {  	v24 =	vmul.f32 v24, v0;
	v16 =	vld [tilespmem:s2+$0x580];
	v23 =	vadd.f32 v27, v21;
	v27 =	vadd.f32 v15, v20  }
0x47: {  	s4 =	simm.s32 $0x20;
	v15 =	vmul.f32 v19, v25;
	v19 =	vld [tilespmem:s2+$0x500];
	v21 =	vmul.f32 v22, v14  }
0x48: {  	s5 =	simm.s32 $0xC0;
	v20 =	vld [tilespmem:s4+$0x100];
	v22 =	vadd.f32 v24, v23;
	v23 =	vmul.f32 v26, v1;
	v24 =	vadd.f32 v28, v27  }
.LBB2_2:
0x49: {  	p1 =	sne.s32 s5, $0x1C0;
	v25 =	vld [tilespmem:s4+$0x180];
	v18 =	vmul.f32 v18, v15  }
0x4a: {  	v22 =	vadd.f32 v23, v22;
	v17 =	vmul.f32 v17, v3;
	v23 =	vld [tilespmem:s2+$0x600];
	v21 =	vadd.f32 v21, v24  }
0x4b: {  	v24 =	vld [tilespmem:s4+$0x200]  }
0x4c: {  	v17 =	vadd.f32 v17, v22;
	v19 =	vmul.f32 v19, v4;
	v22 =	vld [tilespmem:s2+$0x680];
	v18 =	vadd.f32 v18, v21  }
0x4d: {  	v16 =	vmul.f32 v16, v6;
	v21 =	vld [tilespmem:s4+$0x280]  }
0x4e: {  	v20 =	vmul.f32 v20, v10;
	v25 =	vmul.f32 v25, v9;
	v17 =	vadd.f32 v19, v17;
	v19 =	vld [tilespmem:s2+$0x700];
	[tilespmem:s3+$0x900] =	vst v18;
	s3 =	smov.u32 s2;
	s2 =	smov.u32 s4  }
0x4f: {  	v18 =	vld [tilespmem:s2+$0x300];
	v23 =	vmul.f32 v23, v8  }
0x50: {  	v20 =	vadd.f32 v25, v20;
	v24 =	vmul.f32 v24, v5;
	v16 =	vadd.f32 v16, v17;
	v25 =	vld [tilespmem:s3+$0x780]  }
0x51: {  	v26 =	vld [tilespmem:s2+$0x380];
	v17 =	vmul.f32 v22, v11  }
0x52: {  	v20 =	vadd.f32 v24, v20;
	v21 =	vmul.f32 v21, v7;
	v16 =	vadd.f32 v23, v16;
	v22 =	vld [tilespmem:s3+$0x800]  }
0x53: {  	v23 =	vld [tilespmem:s2+$0x400];
	v19 =	vmul.f32 v19, v12  }
.Ltmp1:
0x54: {  	v20 =	vadd.f32 v21, v20;
	v21 =	vmul.f32 v18, v2;
	v24 =	vadd.f32 v17, v16;
	v18 =	vld [tilespmem:s3+$0x880];
	(pc) =	sbr.rel @p1 .LBB2_2-.Ltmp1, $4  }
0x55: {  	v17 =	vld [tilespmem:s2+$0x480];
	v25 =	vmul.f32 v25, v13  }
0x56: {  	v27 =	vadd.f32 v21, v20;
	v26 =	vmul.f32 v26, v0;
	v16 =	vld [tilespmem:s2+$0x580];
	v24 =	vadd.f32 v19, v24  }
0x57: {  	s4 =	sshra.s32 s5, $0x2;
	v19 =	vld [tilespmem:s2+$0x500];
	v21 =	vmul.f32 v22, v14  }
0x58: {  	s5 =	sadd.s32 $0x40, s5;
	v20 =	vld [tilespmem:s4+$0x100];
	v22 =	vadd.f32 v26, v27;
	v23 =	vmul.f32 v23, v1;
	v24 =	vadd.f32 v25, v24  }
0x59: {  	v25 =	vld [tilespmem:s4+$0x180]  }
0x5a: {  	v26 =	vld [tilespmem:s2+$0x600];
	v18 =	vmul.f32 v18, v15;
	v21 =	vadd.f32 v21, v24  }
0x5b: {  	v36 =	vld [tilespmem:s4+$0x200]  }
0x5c: {  	v27 =	vld [tilespmem:s2+$0x680];
	v22 =	vadd.f32 v23, v22;
	v17 =	vmul.f32 v17, v3;
	v18 =	vadd.f32 v18, v21  }
0x5d: {  	v37 =	vld [tilespmem:s4+$0x280];
	v19 =	vmul.f32 v19, v4  }
0x5e: {  	v38 =	vld [tilespmem:s2+$0x700];
	v17 =	vadd.f32 v17, v22;
	v10 =	vmul.f32 v20, v10;
	v9 =	vmul.f32 v25, v9;
	[tilespmem:s3+$0x900] =	vst v18  }
0x5f: {  	v16 =	vmul.f32 v16, v6;
	v18 =	vld [tilespmem:s4+$0x300]  }
0x60: {  	v17 =	vadd.f32 v19, v17;
	v5 =	vmul.f32 v36, v5;
	v9 =	vadd.f32 v9, v10  }
0x61: {  	v39 =	vmul.f32 v26, v8;
	v40 =	vld [tilespmem:s4+$0x380]  }
0x62: {  	v7 =	vmul.f32 v37, v7;
	v41 =	vld [tilespmem:s2+$0x780];
	v16 =	vadd.f32 v16, v17;
	v5 =	vadd.f32 v5, v9  }
0x63: {  	v42 =	vmul.f32 v27, v11;
	v43 =	vld [tilespmem:s4+$0x400]  }
0x64: {  	v44 =	vld [tilespmem:s2+$0x800];
	v10 =	vadd.f32 v39, v16;
	v5 =	vadd.f32 v7, v5;
	v2 =	vmul.f32 v18, v2  }
0x65: {  	v45 =	vmul.f32 v38, v12;
	v46 =	vld [tilespmem:s4+$0x480]  }
0x66: {  	v47 =	vld [tilespmem:s2+$0x880];
	v9 =	vadd.f32 v42, v10;
	v0 =	vmul.f32 v40, v0;
	v2 =	vadd.f32 v2, v5  }
0x67: {  	v49 =	vld [tilespmem:s4+$0x500];
	v48 =	vmul.f32 v41, v13  }
0x68: {  	v1 =	vmul.f32 v43, v1;
	v7 =	vadd.f32 v45, v9;
	v0 =	vadd.f32 v0, v2  }
0x69: {  	v50 =	vld [tilespmem:s4+$0x580];
	v51 =	vmul.f32 v44, v14  }
0x6a: {  	v52 =	vmul.f32 v46, v3;
	v5 =	vadd.f32 v48, v7;
	v0 =	vadd.f32 v1, v0  }
0x6b: {  	v54 =	vld [tilespmem:s4+$0x600];
	v53 =	vmul.f32 v47, v15  }
0x6c: {  	v55 =	vmul.f32 v49, v4;
	v5 =	vadd.f32 v51, v5;
	v0 =	vadd.f32 v52, v0  }
0x6d: {  	v56 =	vld [tilespmem:s4+$0x680]  }
0x6e: {  	v2 =	vmul.f32 v50, v6;
	v3 =	vadd.f32 v53, v5;
	v0 =	vadd.f32 v55, v0  }
0x6f: {  	v57 =	vld [tilespmem:s4+$0x700]  }
0x70: {  	v58 =	vmul.f32 v54, v8;
	[tilespmem:s2+$0x900] =	vst v3;
	v0 =	vadd.f32 v2, v0  }
0x71: {  	v59 =	vld [tilespmem:s4+$0x780]  }
0x72: {  	v4 =	vmul.f32 v56, v11;
	v0 =	vadd.f32 v58, v0  }
0x73: {  	v60 =	vld [tilespmem:s4+$0x800]  }
0x74: {  	v1 =	vmul.f32 v57, v12;
	v0 =	vadd.f32 v4, v0  }
0x75: {  	v61 =	vld [tilespmem:s4+$0x880]  }
0x76: {  	v2 =	vmul.f32 v59, v13;
	v0 =	vadd.f32 v1, v0;
	_ =	sdelay $0x1  }
0x77: {  	v62 =	vmul.f32 v60, v14;
	v0 =	vadd.f32 v2, v0;
	_ =	sdelay $0x1  }
0x78: {  	v63 =	vmul.f32 v61, v15;
	v0 =	vadd.f32 v62, v0;
	_ =	sdelay $0x1  }
0x79: {  	v0 =	vadd.f32 v63, v0;
	_ =	sdelay $0x1  }
0x7a: {  	s29 =	simm.s32 $0x0;
	s30 =	simm.s32 $0x900;
	s31 =	simm.s32 $0x2;
	[tilespmem:s4+$0x900] =	vst v0  }
0x7b: {  	[hbm4b:s1+s29] =	stream.linear.scatter [tilespmem:s30], [sflag:$0x2], $0x80, $0x38;
	[tilespmem:$0x980] =	vst v63  }
0x7c: {  	_ =	swait.ge [sflag:s31], $0x80  }
0x7d: {  	[sflag:s31] =	ssyncset.done $0x0  }
0x7e: {  	[sflag:s31] =	ssyncadd.s32 $0xFFFFFF80  }
.LBB2_4:
0x7f: {  	_ =	sfence.sel $0x180000  }
0x80: {  	[bflag:$0x0] =	sbarrier.arrive $0xFFFF  }
0x81: {  	_ =	strace $0x90000047  }
0x82: {  	s0 =	sadd.s32 @!p0 $0x100000, s0;
	[bflag:$0x2] =	sbarrier.arrive $0xFFFF  }
0x83: {  	[sflag:s0] =	ssyncadd.tile.s32 @!p0 $0x1;
	_ =	shalt  }
.Lfunc_end2:
_tile_overlayer_lowered:
.L_overlay_start_2:
0x84: {  	(tag) =	ssettag $0x2  }
0x85: {  	s0 =	rddreg [dreg:$0x0];
	s2 =	stileid.u32  }
0x86: {  	s1 =	rddreg [dreg:$0x1];
	p0 =	sne.s32 s2, $0x0  }
0x87: {  	s3 =	rddreg [dreg:$0x2];
	[bflag:$0x3] =	sbarrier.arrive $0xFFFF;
	s2 =	simm.s32 @!p0 $0x1C02  }
0x88: {  	[timem:s3], [sflag:s2] =	dma.local @!p0 [hbm:s0], s1  }
0x89: {  	s0 =	simm.s32 @!p0 $0x2  }
0x8a: {  	_ =	swait.ge @!p0 [sflag:s0], s1  }
0x8b: {  	s1 =	ssub.s32 @!p0 $0x0, s1;
	[sflag:s0] =	ssyncset.done @!p0 $0x0  }
0x8c: {  	[sflag:s0] =	ssyncadd.s32 @!p0 s1  }
0x8d: {  	[bflag:$0x3] =	sbarrier.arrive $0xFFFF  }
0x8e: {  	_ =	shalt  }

</sc_bundles>
